<compile_context>
chip_gen: v7x
topology: tpu7x:2x2x1
jax: 0.10.2.dev20260603
libtpu: 0.0.44.dev20260713+nightly
codegen_flags: <defaults>
</compile_context>

<pallas_src>
import functools

import jax
import jax.numpy as jnp
from jax import lax
from jax.experimental import pallas as pl
from jax.experimental.pallas import tpu as pltpu
from jax.experimental.pallas import tpu_sc as plsc

NUM_GENRES = 1000000
EMB_DIM = 10

_BL = 131072


def _proj_body(w_ref, b_ref, tab_ref, out_ref):
    t = tab_ref[...]
    w = w_ref[...]
    out_ref[...] = jnp.sum(t * w, axis=0) + b_ref[0]


def _project(table, fc_w, fc_b):
    tab_t = table.T
    grid = (pl.cdiv(NUM_GENRES, _BL),)
    return pl.pallas_call(
        _proj_body,
        grid=grid,
        in_specs=[
            pl.BlockSpec((EMB_DIM, 1), lambda i: (0, 0)),
            pl.BlockSpec(memory_space=pltpu.SMEM),
            pl.BlockSpec((EMB_DIM, _BL), lambda i: (0, i)),
        ],
        out_specs=pl.BlockSpec((_BL,), lambda i: (i,)),
        out_shape=jax.ShapeDtypeStruct((NUM_GENRES,), jnp.float32),
    )(fc_w.reshape(EMB_DIM, 1), fc_b, tab_t)


def _make_gather(n_idx):
    info = plsc.get_sparse_core_info()
    nw = info.num_cores * info.num_subcores
    per_w = n_idx // nw
    chunk = 12800
    n_chunks = per_w // chunk
    mesh = plsc.VectorSubcoreMesh(core_axis_name="c", subcore_axis_name="s")

    @functools.partial(
        pl.kernel,
        mesh=mesh,
        out_type=jax.ShapeDtypeStruct((n_idx,), jnp.float32),
        scratch_types=[
            pltpu.VMEM_SHARED((NUM_GENRES,), jnp.float32),
            pltpu.VMEM((chunk,), jnp.int32),
            pltpu.VMEM((chunk,), jnp.int32),
            pltpu.VMEM((chunk,), jnp.float32),
            pltpu.VMEM((chunk,), jnp.float32),
            pltpu.SemaphoreType.DMA,
            pltpu.SemaphoreType.DMA,
            pltpu.SemaphoreType.DMA,
            pltpu.SemaphoreType.DMA,
            pltpu.SemaphoreType.DMA,
            pltpu.SemaphoreType.DMA,
        ],
    )
    def gather_k(idx_hbm, proj_hbm, out_hbm,
                 shared, idx_v0, idx_v1, val_v0, val_v1,
                 sem_i0, sem_i1, sem_g0, sem_g1, sem_o0, sem_o1):
        sid = lax.axis_index("s")
        wid = sid * info.num_cores + lax.axis_index("c")
        base = wid * per_w
        idx_v = (idx_v0, idx_v1)
        val_v = (val_v0, val_v1)
        sem_i = (sem_i0, sem_i1)
        sem_g = (sem_g0, sem_g1)
        sem_o = (sem_o0, sem_o1)

        idx_h = [None, None]
        out_h = [None, None]
        idx_h[0] = pltpu.async_copy(
            idx_hbm.at[pl.ds(base, chunk)], idx_v[0], sem_i[0])

        @pl.when(sid == 0)
        def _stage():
            pltpu.sync_copy(proj_hbm, shared)

        plsc.subcore_barrier()

        g_h = [None, None]
        for i in range(n_chunks):
            cur = i & 1
            nxt = 1 - cur
            idx_h[cur].wait()
            if out_h[cur] is not None:
                out_h[cur].wait()
            g_h[cur] = pltpu.async_copy(shared.at[idx_v[cur]], val_v[cur],
                                        sem_g[cur])
            if g_h[nxt] is not None:
                g_h[nxt].wait()
                out_h[nxt] = pltpu.async_copy(
                    val_v[nxt], out_hbm.at[pl.ds(base + (i - 1) * chunk, chunk)],
                    sem_o[nxt])
            if i + 1 < n_chunks:
                idx_h[nxt] = pltpu.async_copy(
                    idx_hbm.at[pl.ds(base + (i + 1) * chunk, chunk)],
                    idx_v[nxt], sem_i[nxt])
        last = (n_chunks - 1) & 1
        g_h[last].wait()
        out_h[last] = pltpu.async_copy(
            val_v[last], out_hbm.at[pl.ds(base + (n_chunks - 1) * chunk, chunk)],
            sem_o[last])
        out_h[0].wait()
        out_h[1].wait()

    return gather_k


def kernel(movie_ids, embedding_table, fc_w, fc_b):
    b, l = movie_ids.shape
    n = b * l
    proj = _project(embedding_table, fc_w, fc_b)
    ids_lin = movie_ids.T.reshape(-1)
    out = _make_gather(n)(ids_lin, proj)
    return out.reshape(l, b, 1).transpose(1, 0, 2)

# --- scband reference (transcript-rebuilt; emitter-appended) ---
"""Pipeline reference for scband-genre-similarity-model-57277683860148 (READ-ONLY COPY).

The authoritative reference and input builder live on the scoring server;
editing this copy changes nothing except your own understanding.
"""

import jax, jax.numpy as jnp
import numpy as np

NUM_GENRES = 1000000
EMB_DIM = 10

def setup_inputs(seed: int = 0) -> dict:
    key = jax.random.key(seed)
    k1, k2, k3, k4 = jax.random.split(key, 4)
    movie_ids = jax.random.randint(k1, (16384, 200), 0, NUM_GENRES)
    embedding_table = jax.random.normal(k2, (NUM_GENRES, EMB_DIM), dtype=jnp.float32)
    # nn.Linear(10, 1): weight [1, 10], bias [1]
    fc_w = jax.random.normal(k3, (1, EMB_DIM), dtype=jnp.float32) * (1.0 / np.sqrt(EMB_DIM))
    fc_b = jax.random.normal(k4, (1,), dtype=jnp.float32) * 0.01
    return {"movie_ids": movie_ids, "embedding_table": embedding_table, "fc_w": fc_w, "fc_b": fc_b}

def reference(movie_ids, embedding_table, fc_w, fc_b):
    genre_embeddings = jnp.take(embedding_table, movie_ids, axis=0)  # [B, L, 10]
    genre_similarity_scores = genre_embeddings @ fc_w.T + fc_b       # [B, L, 1]
    return genre_similarity_scores

if __name__ == "__main__":
    import jax
    _d = setup_inputs()
    print(jax.jit(kernel)(*tuple(_d.values())))

</pallas_src>

<mosaic_0001>
#map = affine_map<(d0, d1) -> (0)>
module attributes {stable_mosaic.version = 14 : i64} {
  func.func @gather_k(%arg0: i32, %arg1: i32, %arg2: memref<3276800xi32, #tpu.memory_space<hbm>>, %arg3: memref<1000000xf32, #tpu.memory_space<hbm>>, %arg4: memref<3276800xf32, #tpu.memory_space<hbm>>, %arg5: memref<1000000xf32, #tpu.memory_space<vmem_shared>>, %arg6: memref<12800xi32, #tpu.memory_space<vmem>>, %arg7: memref<12800xi32, #tpu.memory_space<vmem>>, %arg8: memref<12800xf32, #tpu.memory_space<vmem>>, %arg9: memref<12800xf32, #tpu.memory_space<vmem>>, %arg10: memref<!tpu.dma_semaphore, #tpu.memory_space<semaphore_mem>>, %arg11: memref<!tpu.dma_semaphore, #tpu.memory_space<semaphore_mem>>, %arg12: memref<!tpu.dma_semaphore, #tpu.memory_space<semaphore_mem>>, %arg13: memref<!tpu.dma_semaphore, #tpu.memory_space<semaphore_mem>>, %arg14: memref<!tpu.dma_semaphore, #tpu.memory_space<semaphore_mem>>, %arg15: memref<!tpu.dma_semaphore, #tpu.memory_space<semaphore_mem>>) attributes {dimension_semantics = [#tpu.dimension_semantics<core_parallel>, #tpu.dimension_semantics<subcore_parallel>], iteration_bounds = array<i64: 2, 16>, scalar_prefetch = 0 : i64, scratch_operands = 11 : i64, tpu.core_type = #tpu.core_type<sc_vector_subcore>, window_params = [{transform_indices = #map}, {transform_indices = #map}, {transform_indices = #map}]} {
    %mul3A = arith.constant 2 : i32
    %mul3A_0 = arith.muli %arg1, %mul3A : i32
    %add3A = arith.addi %mul3A_0, %arg0 : i32
    %mul3A_1 = arith.constant 102400 : i32
    %mul3A_2 = arith.muli %add3A, %mul3A_1 : i32
    %dma_start3A = tpu.memref_slice %arg2[%mul3A_2] : memref<3276800xi32, #tpu.memory_space<hbm>> -> memref<12800xi32, #tpu.memory_space<hbm>>
    %dma_start3A_3 = tpu.memref_slice %arg2[%mul3A_2] : memref<3276800xi32, #tpu.memory_space<hbm>> -> memref<12800xi32, #tpu.memory_space<hbm>>
    tpu.enqueue_dma source(%dma_start3A_3 : memref<12800xi32, #tpu.memory_space<hbm>>) target(%arg6 : memref<12800xi32, #tpu.memory_space<vmem>>) target_semaphore(%arg10 : memref<!tpu.dma_semaphore, #tpu.memory_space<semaphore_mem>>)
    %eq3A = arith.constant 0 : i32
    %eq3A_4 = arith.cmpi eq, %arg1, %eq3A : i32
    %convert_element_type3A = arith.extui %eq3A_4 : i1 to i32
    %cond3A = arith.constant 0 : i32
    %cond3A_5 = arith.cmpi ne, %convert_element_type3A, %cond3A : i32
    scf.if %cond3A_5 {
      "tpu.region"() ({
        %run_scoped3A = tpu.sem_alloc : memref<!tpu.dma_semaphore, #tpu.memory_space<semaphore_mem>>
        tpu.enqueue_dma source(%arg3 : memref<1000000xf32, #tpu.memory_space<hbm>>) target(%arg5 : memref<1000000xf32, #tpu.memory_space<vmem_shared>>) target_semaphore(%run_scoped3A : memref<!tpu.dma_semaphore, #tpu.memory_space<semaphore_mem>>)
        tpu.wait_dma2 semaphore(%run_scoped3A : memref<!tpu.dma_semaphore, #tpu.memory_space<semaphore_mem>>) src(%arg3 : memref<1000000xf32, #tpu.memory_space<hbm>>) dst(%arg5 : memref<1000000xf32, #tpu.memory_space<vmem_shared>>)
        tpu.yield
      }) : () -> ()
    } else {
    }
    %barrier3A = arith.constant 0 : index
    tpu.barrier barrier_id(%barrier3A)
    %dma_wait3A = tpu.memref_slice %arg2[%mul3A_2] : memref<3276800xi32, #tpu.memory_space<hbm>> -> memref<12800xi32, #tpu.memory_space<hbm>>
    %dma_wait3A_6 = tpu.memref_slice %arg2[%mul3A_2] : memref<3276800xi32, #tpu.memory_space<hbm>> -> memref<12800xi32, #tpu.memory_space<hbm>>
    tpu.wait_dma2 semaphore(%arg10 : memref<!tpu.dma_semaphore, #tpu.memory_space<semaphore_mem>>) src(%dma_wait3A_6 : memref<12800xi32, #tpu.memory_space<hbm>>) dst(%arg6 : memref<12800xi32, #tpu.memory_space<vmem>>)
    %dma_start3A_7 = arith.constant 0 : i32
    %dma_start3A_8 = tpu.memref_slice %arg5[%dma_start3A_7] : memref<1000000xf32, #tpu.memory_space<vmem_shared>> -> memref<1000000xf32, #tpu.memory_space<vmem_shared>>
    tpu.enqueue_indirect_dma source(%dma_start3A_8 : memref<1000000xf32, #tpu.memory_space<vmem_shared>>) target(%arg8 : memref<12800xf32, #tpu.memory_space<vmem>>) offsets(%arg6 : memref<12800xi32, #tpu.memory_space<vmem>>) semaphore(%arg12 : memref<!tpu.dma_semaphore, #tpu.memory_space<semaphore_mem>>)
    %add3A_9 = arith.constant 12800 : i32
    %add3A_10 = arith.addi %mul3A_2, %add3A_9 : i32
    %dma_start3A_11 = tpu.memref_slice %arg2[%add3A_10] : memref<3276800xi32, #tpu.memory_space<hbm>> -> memref<12800xi32, #tpu.memory_space<hbm>>
    %dma_start3A_12 = tpu.memref_slice %arg2[%add3A_10] : memref<3276800xi32, #tpu.memory_space<hbm>> -> memref<12800xi32, #tpu.memory_space<hbm>>
    tpu.enqueue_dma source(%dma_start3A_12 : memref<12800xi32, #tpu.memory_space<hbm>>) target(%arg7 : memref<12800xi32, #tpu.memory_space<vmem>>) target_semaphore(%arg11 : memref<!tpu.dma_semaphore, #tpu.memory_space<semaphore_mem>>)
    %dma_wait3A_13 = tpu.memref_slice %arg2[%add3A_10] : memref<3276800xi32, #tpu.memory_space<hbm>> -> memref<12800xi32, #tpu.memory_space<hbm>>
    %dma_wait3A_14 = tpu.memref_slice %arg2[%add3A_10] : memref<3276800xi32, #tpu.memory_space<hbm>> -> memref<12800xi32, #tpu.memory_space<hbm>>
    tpu.wait_dma2 semaphore(%arg11 : memref<!tpu.dma_semaphore, #tpu.memory_space<semaphore_mem>>) src(%dma_wait3A_14 : memref<12800xi32, #tpu.memory_space<hbm>>) dst(%arg7 : memref<12800xi32, #tpu.memory_space<vmem>>)
    %dma_start3A_15 = arith.constant 0 : i32
    %dma_start3A_16 = tpu.memref_slice %arg5[%dma_start3A_15] : memref<1000000xf32, #tpu.memory_space<vmem_shared>> -> memref<1000000xf32, #tpu.memory_space<vmem_shared>>
    tpu.enqueue_indirect_dma source(%dma_start3A_16 : memref<1000000xf32, #tpu.memory_space<vmem_shared>>) target(%arg9 : memref<12800xf32, #tpu.memory_space<vmem>>) offsets(%arg7 : memref<12800xi32, #tpu.memory_space<vmem>>) semaphore(%arg13 : memref<!tpu.dma_semaphore, #tpu.memory_space<semaphore_mem>>)
    %dma_wait3A_17 = arith.constant 0 : i32
    %dma_wait3A_18 = tpu.memref_slice %arg5[%dma_wait3A_17] : memref<1000000xf32, #tpu.memory_space<vmem_shared>> -> memref<1000000xf32, #tpu.memory_space<vmem_shared>>
    tpu.wait_indirect_dma semaphore(%arg12 : memref<!tpu.dma_semaphore, #tpu.memory_space<semaphore_mem>>) src(%dma_wait3A_18 : memref<1000000xf32, #tpu.memory_space<vmem_shared>>) dst(%arg8 : memref<12800xf32, #tpu.memory_space<vmem>>)
    %add3A_19 = arith.constant 0 : i32
    %add3A_20 = arith.addi %mul3A_2, %add3A_19 : i32
    %dma_start3A_21 = tpu.memref_slice %arg4[%add3A_20] : memref<3276800xf32, #tpu.memory_space<hbm>> -> memref<12800xf32, #tpu.memory_space<hbm>>
    %dma_start3A_22 = tpu.memref_slice %arg4[%add3A_20] : memref<3276800xf32, #tpu.memory_space<hbm>> -> memref<12800xf32, #tpu.memory_space<hbm>>
    tpu.enqueue_dma source(%arg8 : memref<12800xf32, #tpu.memory_space<vmem>>) target(%dma_start3A_22 : memref<12800xf32, #tpu.memory_space<hbm>>) target_semaphore(%arg14 : memref<!tpu.dma_semaphore, #tpu.memory_space<semaphore_mem>>)
    %add3A_23 = arith.constant 25600 : i32
    %add3A_24 = arith.addi %mul3A_2, %add3A_23 : i32
    %dma_start3A_25 = tpu.memref_slice %arg2[%add3A_24] : memref<3276800xi32, #tpu.memory_space<hbm>> -> memref<12800xi32, #tpu.memory_space<hbm>>
    %dma_start3A_26 = tpu.memref_slice %arg2[%add3A_24] : memref<3276800xi32, #tpu.memory_space<hbm>> -> memref<12800xi32, #tpu.memory_space<hbm>>
    tpu.enqueue_dma source(%dma_start3A_26 : memref<12800xi32, #tpu.memory_space<hbm>>) target(%arg6 : memref<12800xi32, #tpu.memory_space<vmem>>) target_semaphore(%arg10 : memref<!tpu.dma_semaphore, #tpu.memory_space<semaphore_mem>>)
    %dma_wait3A_27 = tpu.memref_slice %arg2[%add3A_24] : memref<3276800xi32, #tpu.memory_space<hbm>> -> memref<12800xi32, #tpu.memory_space<hbm>>
    %dma_wait3A_28 = tpu.memref_slice %arg2[%add3A_24] : memref<3276800xi32, #tpu.memory_space<hbm>> -> memref<12800xi32, #tpu.memory_space<hbm>>
    tpu.wait_dma2 semaphore(%arg10 : memref<!tpu.dma_semaphore, #tpu.memory_space<semaphore_mem>>) src(%dma_wait3A_28 : memref<12800xi32, #tpu.memory_space<hbm>>) dst(%arg6 : memref<12800xi32, #tpu.memory_space<vmem>>)
    %dma_wait3A_29 = tpu.memref_slice %arg4[%add3A_20] : memref<3276800xf32, #tpu.memory_space<hbm>> -> memref<12800xf32, #tpu.memory_space<hbm>>
    %dma_wait3A_30 = tpu.memref_slice %arg4[%add3A_20] : memref<3276800xf32, #tpu.memory_space<hbm>> -> memref<12800xf32, #tpu.memory_space<hbm>>
    tpu.wait_dma2 semaphore(%arg14 : memref<!tpu.dma_semaphore, #tpu.memory_space<semaphore_mem>>) src(%arg8 : memref<12800xf32, #tpu.memory_space<vmem>>) dst(%dma_wait3A_30 : memref<12800xf32, #tpu.memory_space<hbm>>)
    %dma_start3A_31 = arith.constant 0 : i32
    %dma_start3A_32 = tpu.memref_slice %arg5[%dma_start3A_31] : memref<1000000xf32, #tpu.memory_space<vmem_shared>> -> memref<1000000xf32, #tpu.memory_space<vmem_shared>>
    tpu.enqueue_indirect_dma source(%dma_start3A_32 : memref<1000000xf32, #tpu.memory_space<vmem_shared>>) target(%arg8 : memref<12800xf32, #tpu.memory_space<vmem>>) offsets(%arg6 : memref<12800xi32, #tpu.memory_space<vmem>>) semaphore(%arg12 : memref<!tpu.dma_semaphore, #tpu.memory_space<semaphore_mem>>)
    %dma_wait3A_33 = arith.constant 0 : i32
    %dma_wait3A_34 = tpu.memref_slice %arg5[%dma_wait3A_33] : memref<1000000xf32, #tpu.memory_space<vmem_shared>> -> memref<1000000xf32, #tpu.memory_space<vmem_shared>>
    tpu.wait_indirect_dma semaphore(%arg13 : memref<!tpu.dma_semaphore, #tpu.memory_space<semaphore_mem>>) src(%dma_wait3A_34 : memref<1000000xf32, #tpu.memory_space<vmem_shared>>) dst(%arg9 : memref<12800xf32, #tpu.memory_space<vmem>>)
    %add3A_35 = arith.constant 12800 : i32
    %add3A_36 = arith.addi %mul3A_2, %add3A_35 : i32
    %dma_start3A_37 = tpu.memref_slice %arg4[%add3A_36] : memref<3276800xf32, #tpu.memory_space<hbm>> -> memref<12800xf32, #tpu.memory_space<hbm>>
    %dma_start3A_38 = tpu.memref_slice %arg4[%add3A_36] : memref<3276800xf32, #tpu.memory_space<hbm>> -> memref<12800xf32, #tpu.memory_space<hbm>>
    tpu.enqueue_dma source(%arg9 : memref<12800xf32, #tpu.memory_space<vmem>>) target(%dma_start3A_38 : memref<12800xf32, #tpu.memory_space<hbm>>) target_semaphore(%arg15 : memref<!tpu.dma_semaphore, #tpu.memory_space<semaphore_mem>>)
    %add3A_39 = arith.constant 38400 : i32
    %add3A_40 = arith.addi %mul3A_2, %add3A_39 : i32
    %dma_start3A_41 = tpu.memref_slice %arg2[%add3A_40] : memref<3276800xi32, #tpu.memory_space<hbm>> -> memref<12800xi32, #tpu.memory_space<hbm>>
    %dma_start3A_42 = tpu.memref_slice %arg2[%add3A_40] : memref<3276800xi32, #tpu.memory_space<hbm>> -> memref<12800xi32, #tpu.memory_space<hbm>>
    tpu.enqueue_dma source(%dma_start3A_42 : memref<12800xi32, #tpu.memory_space<hbm>>) target(%arg7 : memref<12800xi32, #tpu.memory_space<vmem>>) target_semaphore(%arg11 : memref<!tpu.dma_semaphore, #tpu.memory_space<semaphore_mem>>)
    %dma_wait3A_43 = tpu.memref_slice %arg2[%add3A_40] : memref<3276800xi32, #tpu.memory_space<hbm>> -> memref<12800xi32, #tpu.memory_space<hbm>>
    %dma_wait3A_44 = tpu.memref_slice %arg2[%add3A_40] : memref<3276800xi32, #tpu.memory_space<hbm>> -> memref<12800xi32, #tpu.memory_space<hbm>>
    tpu.wait_dma2 semaphore(%arg11 : memref<!tpu.dma_semaphore, #tpu.memory_space<semaphore_mem>>) src(%dma_wait3A_44 : memref<12800xi32, #tpu.memory_space<hbm>>) dst(%arg7 : memref<12800xi32, #tpu.memory_space<vmem>>)
    %dma_wait3A_45 = tpu.memref_slice %arg4[%add3A_36] : memref<3276800xf32, #tpu.memory_space<hbm>> -> memref<12800xf32, #tpu.memory_space<hbm>>
    %dma_wait3A_46 = tpu.memref_slice %arg4[%add3A_36] : memref<3276800xf32, #tpu.memory_space<hbm>> -> memref<12800xf32, #tpu.memory_space<hbm>>
    tpu.wait_dma2 semaphore(%arg15 : memref<!tpu.dma_semaphore, #tpu.memory_space<semaphore_mem>>) src(%arg9 : memref<12800xf32, #tpu.memory_space<vmem>>) dst(%dma_wait3A_46 : memref<12800xf32, #tpu.memory_space<hbm>>)
    %dma_start3A_47 = arith.constant 0 : i32
    %dma_start3A_48 = tpu.memref_slice %arg5[%dma_start3A_47] : memref<1000000xf32, #tpu.memory_space<vmem_shared>> -> memref<1000000xf32, #tpu.memory_space<vmem_shared>>
    tpu.enqueue_indirect_dma source(%dma_start3A_48 : memref<1000000xf32, #tpu.memory_space<vmem_shared>>) target(%arg9 : memref<12800xf32, #tpu.memory_space<vmem>>) offsets(%arg7 : memref<12800xi32, #tpu.memory_space<vmem>>) semaphore(%arg13 : memref<!tpu.dma_semaphore, #tpu.memory_space<semaphore_mem>>)
    %dma_wait3A_49 = arith.constant 0 : i32
    %dma_wait3A_50 = tpu.memref_slice %arg5[%dma_wait3A_49] : memref<1000000xf32, #tpu.memory_space<vmem_shared>> -> memref<1000000xf32, #tpu.memory_space<vmem_shared>>
    tpu.wait_indirect_dma semaphore(%arg12 : memref<!tpu.dma_semaphore, #tpu.memory_space<semaphore_mem>>) src(%dma_wait3A_50 : memref<1000000xf32, #tpu.memory_space<vmem_shared>>) dst(%arg8 : memref<12800xf32, #tpu.memory_space<vmem>>)
    %add3A_51 = arith.constant 25600 : i32
    %add3A_52 = arith.addi %mul3A_2, %add3A_51 : i32
    %dma_start3A_53 = tpu.memref_slice %arg4[%add3A_52] : memref<3276800xf32, #tpu.memory_space<hbm>> -> memref<12800xf32, #tpu.memory_space<hbm>>
    %dma_start3A_54 = tpu.memref_slice %arg4[%add3A_52] : memref<3276800xf32, #tpu.memory_space<hbm>> -> memref<12800xf32, #tpu.memory_space<hbm>>
    tpu.enqueue_dma source(%arg8 : memref<12800xf32, #tpu.memory_space<vmem>>) target(%dma_start3A_54 : memref<12800xf32, #tpu.memory_space<hbm>>) target_semaphore(%arg14 : memref<!tpu.dma_semaphore, #tpu.memory_space<semaphore_mem>>)
    %add3A_55 = arith.constant 51200 : i32
    %add3A_56 = arith.addi %mul3A_2, %add3A_55 : i32
    %dma_start3A_57 = tpu.memref_slice %arg2[%add3A_56] : memref<3276800xi32, #tpu.memory_space<hbm>> -> memref<12800xi32, #tpu.memory_space<hbm>>
    %dma_start3A_58 = tpu.memref_slice %arg2[%add3A_56] : memref<3276800xi32, #tpu.memory_space<hbm>> -> memref<12800xi32, #tpu.memory_space<hbm>>
    tpu.enqueue_dma source(%dma_start3A_58 : memref<12800xi32, #tpu.memory_space<hbm>>) target(%arg6 : memref<12800xi32, #tpu.memory_space<vmem>>) target_semaphore(%arg10 : memref<!tpu.dma_semaphore, #tpu.memory_space<semaphore_mem>>)
    %dma_wait3A_59 = tpu.memref_slice %arg2[%add3A_56] : memref<3276800xi32, #tpu.memory_space<hbm>> -> memref<12800xi32, #tpu.memory_space<hbm>>
    %dma_wait3A_60 = tpu.memref_slice %arg2[%add3A_56] : memref<3276800xi32, #tpu.memory_space<hbm>> -> memref<12800xi32, #tpu.memory_space<hbm>>
    tpu.wait_dma2 semaphore(%arg10 : memref<!tpu.dma_semaphore, #tpu.memory_space<semaphore_mem>>) src(%dma_wait3A_60 : memref<12800xi32, #tpu.memory_space<hbm>>) dst(%arg6 : memref<12800xi32, #tpu.memory_space<vmem>>)
    %dma_wait3A_61 = tpu.memref_slice %arg4[%add3A_52] : memref<3276800xf32, #tpu.memory_space<hbm>> -> memref<12800xf32, #tpu.memory_space<hbm>>
    %dma_wait3A_62 = tpu.memref_slice %arg4[%add3A_52] : memref<3276800xf32, #tpu.memory_space<hbm>> -> memref<12800xf32, #tpu.memory_space<hbm>>
    tpu.wait_dma2 semaphore(%arg14 : memref<!tpu.dma_semaphore, #tpu.memory_space<semaphore_mem>>) src(%arg8 : memref<12800xf32, #tpu.memory_space<vmem>>) dst(%dma_wait3A_62 : memref<12800xf32, #tpu.memory_space<hbm>>)
    %dma_start3A_63 = arith.constant 0 : i32
    %dma_start3A_64 = tpu.memref_slice %arg5[%dma_start3A_63] : memref<1000000xf32, #tpu.memory_space<vmem_shared>> -> memref<1000000xf32, #tpu.memory_space<vmem_shared>>
    tpu.enqueue_indirect_dma source(%dma_start3A_64 : memref<1000000xf32, #tpu.memory_space<vmem_shared>>) target(%arg8 : memref<12800xf32, #tpu.memory_space<vmem>>) offsets(%arg6 : memref<12800xi32, #tpu.memory_space<vmem>>) semaphore(%arg12 : memref<!tpu.dma_semaphore, #tpu.memory_space<semaphore_mem>>)
    %dma_wait3A_65 = arith.constant 0 : i32
    %dma_wait3A_66 = tpu.memref_slice %arg5[%dma_wait3A_65] : memref<1000000xf32, #tpu.memory_space<vmem_shared>> -> memref<1000000xf32, #tpu.memory_space<vmem_shared>>
    tpu.wait_indirect_dma semaphore(%arg13 : memref<!tpu.dma_semaphore, #tpu.memory_space<semaphore_mem>>) src(%dma_wait3A_66 : memref<1000000xf32, #tpu.memory_space<vmem_shared>>) dst(%arg9 : memref<12800xf32, #tpu.memory_space<vmem>>)
    %add3A_67 = arith.constant 38400 : i32
    %add3A_68 = arith.addi %mul3A_2, %add3A_67 : i32
    %dma_start3A_69 = tpu.memref_slice %arg4[%add3A_68] : memref<3276800xf32, #tpu.memory_space<hbm>> -> memref<12800xf32, #tpu.memory_space<hbm>>
    %dma_start3A_70 = tpu.memref_slice %arg4[%add3A_68] : memref<3276800xf32, #tpu.memory_space<hbm>> -> memref<12800xf32, #tpu.memory_space<hbm>>
    tpu.enqueue_dma source(%arg9 : memref<12800xf32, #tpu.memory_space<vmem>>) target(%dma_start3A_70 : memref<12800xf32, #tpu.memory_space<hbm>>) target_semaphore(%arg15 : memref<!tpu.dma_semaphore, #tpu.memory_space<semaphore_mem>>)
    %add3A_71 = arith.constant 64000 : i32
    %add3A_72 = arith.addi %mul3A_2, %add3A_71 : i32
    %dma_start3A_73 = tpu.memref_slice %arg2[%add3A_72] : memref<3276800xi32, #tpu.memory_space<hbm>> -> memref<12800xi32, #tpu.memory_space<hbm>>
    %dma_start3A_74 = tpu.memref_slice %arg2[%add3A_72] : memref<3276800xi32, #tpu.memory_space<hbm>> -> memref<12800xi32, #tpu.memory_space<hbm>>
    tpu.enqueue_dma source(%dma_start3A_74 : memref<12800xi32, #tpu.memory_space<hbm>>) target(%arg7 : memref<12800xi32, #tpu.memory_space<vmem>>) target_semaphore(%arg11 : memref<!tpu.dma_semaphore, #tpu.memory_space<semaphore_mem>>)
    %dma_wait3A_75 = tpu.memref_slice %arg2[%add3A_72] : memref<3276800xi32, #tpu.memory_space<hbm>> -> memref<12800xi32, #tpu.memory_space<hbm>>
    %dma_wait3A_76 = tpu.memref_slice %arg2[%add3A_72] : memref<3276800xi32, #tpu.memory_space<hbm>> -> memref<12800xi32, #tpu.memory_space<hbm>>
    tpu.wait_dma2 semaphore(%arg11 : memref<!tpu.dma_semaphore, #tpu.memory_space<semaphore_mem>>) src(%dma_wait3A_76 : memref<12800xi32, #tpu.memory_space<hbm>>) dst(%arg7 : memref<12800xi32, #tpu.memory_space<vmem>>)
    %dma_wait3A_77 = tpu.memref_slice %arg4[%add3A_68] : memref<3276800xf32, #tpu.memory_space<hbm>> -> memref<12800xf32, #tpu.memory_space<hbm>>
    %dma_wait3A_78 = tpu.memref_slice %arg4[%add3A_68] : memref<3276800xf32, #tpu.memory_space<hbm>> -> memref<12800xf32, #tpu.memory_space<hbm>>
    tpu.wait_dma2 semaphore(%arg15 : memref<!tpu.dma_semaphore, #tpu.memory_space<semaphore_mem>>) src(%arg9 : memref<12800xf32, #tpu.memory_space<vmem>>) dst(%dma_wait3A_78 : memref<12800xf32, #tpu.memory_space<hbm>>)
    %dma_start3A_79 = arith.constant 0 : i32
    %dma_start3A_80 = tpu.memref_slice %arg5[%dma_start3A_79] : memref<1000000xf32, #tpu.memory_space<vmem_shared>> -> memref<1000000xf32, #tpu.memory_space<vmem_shared>>
    tpu.enqueue_indirect_dma source(%dma_start3A_80 : memref<1000000xf32, #tpu.memory_space<vmem_shared>>) target(%arg9 : memref<12800xf32, #tpu.memory_space<vmem>>) offsets(%arg7 : memref<12800xi32, #tpu.memory_space<vmem>>) semaphore(%arg13 : memref<!tpu.dma_semaphore, #tpu.memory_space<semaphore_mem>>)
    %dma_wait3A_81 = arith.constant 0 : i32
    %dma_wait3A_82 = tpu.memref_slice %arg5[%dma_wait3A_81] : memref<1000000xf32, #tpu.memory_space<vmem_shared>> -> memref<1000000xf32, #tpu.memory_space<vmem_shared>>
    tpu.wait_indirect_dma semaphore(%arg12 : memref<!tpu.dma_semaphore, #tpu.memory_space<semaphore_mem>>) src(%dma_wait3A_82 : memref<1000000xf32, #tpu.memory_space<vmem_shared>>) dst(%arg8 : memref<12800xf32, #tpu.memory_space<vmem>>)
    %add3A_83 = arith.constant 51200 : i32
    %add3A_84 = arith.addi %mul3A_2, %add3A_83 : i32
    %dma_start3A_85 = tpu.memref_slice %arg4[%add3A_84] : memref<3276800xf32, #tpu.memory_space<hbm>> -> memref<12800xf32, #tpu.memory_space<hbm>>
    %dma_start3A_86 = tpu.memref_slice %arg4[%add3A_84] : memref<3276800xf32, #tpu.memory_space<hbm>> -> memref<12800xf32, #tpu.memory_space<hbm>>
    tpu.enqueue_dma source(%arg8 : memref<12800xf32, #tpu.memory_space<vmem>>) target(%dma_start3A_86 : memref<12800xf32, #tpu.memory_space<hbm>>) target_semaphore(%arg14 : memref<!tpu.dma_semaphore, #tpu.memory_space<semaphore_mem>>)
    %add3A_87 = arith.constant 76800 : i32
    %add3A_88 = arith.addi %mul3A_2, %add3A_87 : i32
    %dma_start3A_89 = tpu.memref_slice %arg2[%add3A_88] : memref<3276800xi32, #tpu.memory_space<hbm>> -> memref<12800xi32, #tpu.memory_space<hbm>>
    %dma_start3A_90 = tpu.memref_slice %arg2[%add3A_88] : memref<3276800xi32, #tpu.memory_space<hbm>> -> memref<12800xi32, #tpu.memory_space<hbm>>
    tpu.enqueue_dma source(%dma_start3A_90 : memref<12800xi32, #tpu.memory_space<hbm>>) target(%arg6 : memref<12800xi32, #tpu.memory_space<vmem>>) target_semaphore(%arg10 : memref<!tpu.dma_semaphore, #tpu.memory_space<semaphore_mem>>)
    %dma_wait3A_91 = tpu.memref_slice %arg2[%add3A_88] : memref<3276800xi32, #tpu.memory_space<hbm>> -> memref<12800xi32, #tpu.memory_space<hbm>>
    %dma_wait3A_92 = tpu.memref_slice %arg2[%add3A_88] : memref<3276800xi32, #tpu.memory_space<hbm>> -> memref<12800xi32, #tpu.memory_space<hbm>>
    tpu.wait_dma2 semaphore(%arg10 : memref<!tpu.dma_semaphore, #tpu.memory_space<semaphore_mem>>) src(%dma_wait3A_92 : memref<12800xi32, #tpu.memory_space<hbm>>) dst(%arg6 : memref<12800xi32, #tpu.memory_space<vmem>>)
    %dma_wait3A_93 = tpu.memref_slice %arg4[%add3A_84] : memref<3276800xf32, #tpu.memory_space<hbm>> -> memref<12800xf32, #tpu.memory_space<hbm>>
    %dma_wait3A_94 = tpu.memref_slice %arg4[%add3A_84] : memref<3276800xf32, #tpu.memory_space<hbm>> -> memref<12800xf32, #tpu.memory_space<hbm>>
    tpu.wait_dma2 semaphore(%arg14 : memref<!tpu.dma_semaphore, #tpu.memory_space<semaphore_mem>>) src(%arg8 : memref<12800xf32, #tpu.memory_space<vmem>>) dst(%dma_wait3A_94 : memref<12800xf32, #tpu.memory_space<hbm>>)
    %dma_start3A_95 = arith.constant 0 : i32
    %dma_start3A_96 = tpu.memref_slice %arg5[%dma_start3A_95] : memref<1000000xf32, #tpu.memory_space<vmem_shared>> -> memref<1000000xf32, #tpu.memory_space<vmem_shared>>
    tpu.enqueue_indirect_dma source(%dma_start3A_96 : memref<1000000xf32, #tpu.memory_space<vmem_shared>>) target(%arg8 : memref<12800xf32, #tpu.memory_space<vmem>>) offsets(%arg6 : memref<12800xi32, #tpu.memory_space<vmem>>) semaphore(%arg12 : memref<!tpu.dma_semaphore, #tpu.memory_space<semaphore_mem>>)
    %dma_wait3A_97 = arith.constant 0 : i32
    %dma_wait3A_98 = tpu.memref_slice %arg5[%dma_wait3A_97] : memref<1000000xf32, #tpu.memory_space<vmem_shared>> -> memref<1000000xf32, #tpu.memory_space<vmem_shared>>
    tpu.wait_indirect_dma semaphore(%arg13 : memref<!tpu.dma_semaphore, #tpu.memory_space<semaphore_mem>>) src(%dma_wait3A_98 : memref<1000000xf32, #tpu.memory_space<vmem_shared>>) dst(%arg9 : memref<12800xf32, #tpu.memory_space<vmem>>)
    %add3A_99 = arith.constant 64000 : i32
    %add3A_100 = arith.addi %mul3A_2, %add3A_99 : i32
    %dma_start3A_101 = tpu.memref_slice %arg4[%add3A_100] : memref<3276800xf32, #tpu.memory_space<hbm>> -> memref<12800xf32, #tpu.memory_space<hbm>>
    %dma_start3A_102 = tpu.memref_slice %arg4[%add3A_100] : memref<3276800xf32, #tpu.memory_space<hbm>> -> memref<12800xf32, #tpu.memory_space<hbm>>
    tpu.enqueue_dma source(%arg9 : memref<12800xf32, #tpu.memory_space<vmem>>) target(%dma_start3A_102 : memref<12800xf32, #tpu.memory_space<hbm>>) target_semaphore(%arg15 : memref<!tpu.dma_semaphore, #tpu.memory_space<semaphore_mem>>)
    %add3A_103 = arith.constant 89600 : i32
    %add3A_104 = arith.addi %mul3A_2, %add3A_103 : i32
    %dma_start3A_105 = tpu.memref_slice %arg2[%add3A_104] : memref<3276800xi32, #tpu.memory_space<hbm>> -> memref<12800xi32, #tpu.memory_space<hbm>>
    %dma_start3A_106 = tpu.memref_slice %arg2[%add3A_104] : memref<3276800xi32, #tpu.memory_space<hbm>> -> memref<12800xi32, #tpu.memory_space<hbm>>
    tpu.enqueue_dma source(%dma_start3A_106 : memref<12800xi32, #tpu.memory_space<hbm>>) target(%arg7 : memref<12800xi32, #tpu.memory_space<vmem>>) target_semaphore(%arg11 : memref<!tpu.dma_semaphore, #tpu.memory_space<semaphore_mem>>)
    %dma_wait3A_107 = tpu.memref_slice %arg2[%add3A_104] : memref<3276800xi32, #tpu.memory_space<hbm>> -> memref<12800xi32, #tpu.memory_space<hbm>>
    %dma_wait3A_108 = tpu.memref_slice %arg2[%add3A_104] : memref<3276800xi32, #tpu.memory_space<hbm>> -> memref<12800xi32, #tpu.memory_space<hbm>>
    tpu.wait_dma2 semaphore(%arg11 : memref<!tpu.dma_semaphore, #tpu.memory_space<semaphore_mem>>) src(%dma_wait3A_108 : memref<12800xi32, #tpu.memory_space<hbm>>) dst(%arg7 : memref<12800xi32, #tpu.memory_space<vmem>>)
    %dma_wait3A_109 = tpu.memref_slice %arg4[%add3A_100] : memref<3276800xf32, #tpu.memory_space<hbm>> -> memref<12800xf32, #tpu.memory_space<hbm>>
    %dma_wait3A_110 = tpu.memref_slice %arg4[%add3A_100] : memref<3276800xf32, #tpu.memory_space<hbm>> -> memref<12800xf32, #tpu.memory_space<hbm>>
    tpu.wait_dma2 semaphore(%arg15 : memref<!tpu.dma_semaphore, #tpu.memory_space<semaphore_mem>>) src(%arg9 : memref<12800xf32, #tpu.memory_space<vmem>>) dst(%dma_wait3A_110 : memref<12800xf32, #tpu.memory_space<hbm>>)
    %dma_start3A_111 = arith.constant 0 : i32
    %dma_start3A_112 = tpu.memref_slice %arg5[%dma_start3A_111] : memref<1000000xf32, #tpu.memory_space<vmem_shared>> -> memref<1000000xf32, #tpu.memory_space<vmem_shared>>
    tpu.enqueue_indirect_dma source(%dma_start3A_112 : memref<1000000xf32, #tpu.memory_space<vmem_shared>>) target(%arg9 : memref<12800xf32, #tpu.memory_space<vmem>>) offsets(%arg7 : memref<12800xi32, #tpu.memory_space<vmem>>) semaphore(%arg13 : memref<!tpu.dma_semaphore, #tpu.memory_space<semaphore_mem>>)
    %dma_wait3A_113 = arith.constant 0 : i32
    %dma_wait3A_114 = tpu.memref_slice %arg5[%dma_wait3A_113] : memref<1000000xf32, #tpu.memory_space<vmem_shared>> -> memref<1000000xf32, #tpu.memory_space<vmem_shared>>
    tpu.wait_indirect_dma semaphore(%arg12 : memref<!tpu.dma_semaphore, #tpu.memory_space<semaphore_mem>>) src(%dma_wait3A_114 : memref<1000000xf32, #tpu.memory_space<vmem_shared>>) dst(%arg8 : memref<12800xf32, #tpu.memory_space<vmem>>)
    %add3A_115 = arith.constant 76800 : i32
    %add3A_116 = arith.addi %mul3A_2, %add3A_115 : i32
    %dma_start3A_117 = tpu.memref_slice %arg4[%add3A_116] : memref<3276800xf32, #tpu.memory_space<hbm>> -> memref<12800xf32, #tpu.memory_space<hbm>>
    %dma_start3A_118 = tpu.memref_slice %arg4[%add3A_116] : memref<3276800xf32, #tpu.memory_space<hbm>> -> memref<12800xf32, #tpu.memory_space<hbm>>
    tpu.enqueue_dma source(%arg8 : memref<12800xf32, #tpu.memory_space<vmem>>) target(%dma_start3A_118 : memref<12800xf32, #tpu.memory_space<hbm>>) target_semaphore(%arg14 : memref<!tpu.dma_semaphore, #tpu.memory_space<semaphore_mem>>)
    %dma_wait3A_119 = arith.constant 0 : i32
    %dma_wait3A_120 = tpu.memref_slice %arg5[%dma_wait3A_119] : memref<1000000xf32, #tpu.memory_space<vmem_shared>> -> memref<1000000xf32, #tpu.memory_space<vmem_shared>>
    tpu.wait_indirect_dma semaphore(%arg13 : memref<!tpu.dma_semaphore, #tpu.memory_space<semaphore_mem>>) src(%dma_wait3A_120 : memref<1000000xf32, #tpu.memory_space<vmem_shared>>) dst(%arg9 : memref<12800xf32, #tpu.memory_space<vmem>>)
    %add3A_121 = arith.constant 89600 : i32
    %add3A_122 = arith.addi %mul3A_2, %add3A_121 : i32
    %dma_start3A_123 = tpu.memref_slice %arg4[%add3A_122] : memref<3276800xf32, #tpu.memory_space<hbm>> -> memref<12800xf32, #tpu.memory_space<hbm>>
    %dma_start3A_124 = tpu.memref_slice %arg4[%add3A_122] : memref<3276800xf32, #tpu.memory_space<hbm>> -> memref<12800xf32, #tpu.memory_space<hbm>>
    tpu.enqueue_dma source(%arg9 : memref<12800xf32, #tpu.memory_space<vmem>>) target(%dma_start3A_124 : memref<12800xf32, #tpu.memory_space<hbm>>) target_semaphore(%arg15 : memref<!tpu.dma_semaphore, #tpu.memory_space<semaphore_mem>>)
    %dma_wait3A_125 = tpu.memref_slice %arg4[%add3A_116] : memref<3276800xf32, #tpu.memory_space<hbm>> -> memref<12800xf32, #tpu.memory_space<hbm>>
    %dma_wait3A_126 = tpu.memref_slice %arg4[%add3A_116] : memref<3276800xf32, #tpu.memory_space<hbm>> -> memref<12800xf32, #tpu.memory_space<hbm>>
    tpu.wait_dma2 semaphore(%arg14 : memref<!tpu.dma_semaphore, #tpu.memory_space<semaphore_mem>>) src(%arg8 : memref<12800xf32, #tpu.memory_space<vmem>>) dst(%dma_wait3A_126 : memref<12800xf32, #tpu.memory_space<hbm>>)
    %dma_wait3A_127 = tpu.memref_slice %arg4[%add3A_122] : memref<3276800xf32, #tpu.memory_space<hbm>> -> memref<12800xf32, #tpu.memory_space<hbm>>
    %dma_wait3A_128 = tpu.memref_slice %arg4[%add3A_122] : memref<3276800xf32, #tpu.memory_space<hbm>> -> memref<12800xf32, #tpu.memory_space<hbm>>
    tpu.wait_dma2 semaphore(%arg15 : memref<!tpu.dma_semaphore, #tpu.memory_space<semaphore_mem>>) src(%arg9 : memref<12800xf32, #tpu.memory_space<vmem>>) dst(%dma_wait3A_128 : memref<12800xf32, #tpu.memory_space<hbm>>)
    return
  }
}

module attributes {stable_mosaic.version = 14 : i64} {
  func.func @_proj_body(%arg0: i32, %arg1: memref<10x1xf32, #tpu.memory_space<vmem>>, %arg2: memref<1xf32, #tpu.memory_space<smem>>, %arg3: memref<10x131072xf32, #tpu.memory_space<vmem>>, %arg4: memref<131072xf32, #tpu.memory_space<vmem>>) attributes {dimension_semantics = [#tpu.dimension_semantics<arbitrary>], iteration_bounds = array<i64: 8>, scalar_prefetch = 0 : i64, scratch_operands = 0 : i64, tpu.core_type = #tpu.core_type<tc>, window_params = [{pipeline_mode = #tpu.pipeline_mode<synchronous>, transform_indices = @transform_0, window_bounds = array<i64: 10, 1>}, {transform_indices = @transform_1, window_bounds = array<i64: 1>}, {transform_indices = @transform_2, window_bounds = array<i64: 10, 131072>}, {transform_indices = @transform_3, window_bounds = array<i64: 131072>}]} {
    %get3A = arith.constant 0 : index
    %get3A_0 = arith.constant 0 : index
    %get3A_1 = vector.load %arg3[%get3A, %get3A_0] : memref<10x131072xf32, #tpu.memory_space<vmem>>, vector<10x131072xf32>
    %get3A_2 = arith.constant 0 : index
    %get3A_3 = arith.constant 0 : index
    %get3A_4 = vector.load %arg1[%get3A_2, %get3A_3] : memref<10x1xf32, #tpu.memory_space<vmem>>, vector<10x1xf32>
    %mul3A = vector.broadcast %get3A_4 : vector<10x1xf32> to vector<10x131072xf32>
    %mul3A_5 = arith.mulf %get3A_1, %mul3A : vector<10x131072xf32>
    %reduce_sum3A = arith.constant dense<0.000000e+00> : vector<131072xf32>
    %reduce_sum3A_6 = vector.multi_reduction <add>, %mul3A_5, %reduce_sum3A [0] : vector<10x131072xf32> to vector<131072xf32>
    %get3A_7 = arith.constant 0 : index
    %get3A_8 = memref.load %arg2[%get3A_7] : memref<1xf32, #tpu.memory_space<smem>>
    %add3A = vector.broadcast %get3A_8 : f32 to vector<131072xf32>
    %add3A_9 = arith.addf %reduce_sum3A_6, %add3A : vector<131072xf32>
    %swap3A = arith.constant 0 : index
    %swap3A_10 = vector.load %arg4[%swap3A] : memref<131072xf32, #tpu.memory_space<vmem>>, vector<131072xf32>
    tpu.vector_store %arg4[%swap3A], %add3A_9 {strides = array<i32>} : memref<131072xf32, #tpu.memory_space<vmem>>, vector<131072xf32>,
    return
  }
  func.func @transform_0(%arg0: i32) -> (i32, i32) {
    %c0_i32 = arith.constant 0 : i32
    %c0_i32_0 = arith.constant 0 : i32
    %c0_i32_1 = arith.constant 0 : i32
    return %c0_i32, %c0_i32_0 : i32, i32
  }
  func.func @transform_1(%arg0: i32) -> i32 {
    %c0_i32 = arith.constant 0 : i32
    %c0_i32_0 = arith.constant 0 : i32
    return %c0_i32 : i32
  }
  func.func @transform_2(%arg0: i32) -> (i32, i32) {
    %c0_i32 = arith.constant 0 : i32
    %c0_i32_0 = arith.constant 0 : i32
    return %c0_i32, %arg0 : i32, i32
  }
  func.func @transform_3(%arg0: i32) -> i32 {
    %c0_i32 = arith.constant 0 : i32
    return %arg0 : i32
  }
}

</mosaic_0001>

<sc_bundles>
// kernel: kernel.4.cloned.1.call-start
scs
__scs_entry_jumppad:
0x0: {  	(pc) =	sbr.rel $0x88, $3  }
0x1: {  	(tag) =	ssettag $0x0;
	lr =	simm.s32 $0x1  }
0x2: {  	[smem:$0x3F9D] =	sst lr;
	_ =	strace $0xD0000000  }
0x3: {  	_ = 	snop  }
0x4: {  	_ = 	snop  }
0x5: {  	_ = 	snop  }
0x6: {  	_ = 	snop  }
0x7: {  	_ = 	snop  }
__scs_overlays_trampoline_lowered:
0x8: {  	[smem:$0x3FAC] =	sst s0  }
0x9: {  	[smem:$0x3FAD] =	sst s1  }
0xa: {  	[smem:$0x3FAE] =	sst s2  }
0xb: {  	[smem:$0x3FAF] =	sst s3  }
0xc: {  	[smem:$0x3FB0] =	sst s4  }
0xd: {  	[smem:$0x3FB1] =	sst s5  }
0xe: {  	[smem:$0x3FB2] =	sst s6  }
0xf: {  	[smem:$0x3FB3] =	sst s7  }
0x10: {  	[smem:$0x3FB4] =	sst s8  }
0x11: {  	[smem:$0x3FB5] =	sst s9;
	s0 =	simm.s32 @!p0 $0x0  }
0x12: {  	s1 =	sld [smem:$0x3F9B];
	s0 =	simm.s32 @p0 $0x1  }
0x13: {  	[smem:$0x3FB6] =	sst s0;
	s0 =	simm.s32 @!p1 $0x0  }
0x14: {  	s2 =	sld [smem:$0x3F9A];
	s0 =	simm.s32 @p1 $0x1  }
0x15: {  	[smem:$0x3FB7] =	sst s0;
	s0 =	simm.s32 @!p2 $0x0  }
0x16: {  	s3 =	sld [smem:$0x3FDB];
	s0 =	simm.s32 @p2 $0x1  }
0x17: {  	s4 =	simm.s32 $0x1BF5;
	[smem:$0x3FB9] =	sst s0  }
0x18: {  	s0 =	sld [smem:$0x3F9C];
	_ =	swait.ge [sflag:s4], $0x0  }
0x19: {  	s7 =	sld [smem:$0x3F9D]  }
0x1a: {  	s8 =	sadd.s32 $0xFFFFE003, lr  }
0x1b: {  	s9 =	sadd.s32 $0xFFFFFEF7, lr;
	s5 =	simm.s32 $0xFFFFFFFF;
	p2 =	slt.u32 s8, $0xFFFFF086  }
0x1c: {  	p1 =	slt.u32 s9, $0xF7A;
	s5 =	simm.s32 @!p2 $0x0  }
0x1d: {  	s5 =	simm.s32 @p1 $0x1;
	p0 =	seq.s32 s7, s2  }
0x1e: {  	s7 =	smul.u32 @!p0 $0xF7A, s2;
	p2 =	seq.s32 @!p0 s5, $0x0  }
0x1f: {  	s9 =	smul.u32 $0xF7A, s1;
	s8 =	simm.s32 @!p0 $0x1BF5;
	p2 =	por !p2, p0  }
0x20: {  	[sflag:s8] =	ssyncset.s32 @!p0 $0xFFFFF086;
	s6 =	sadd.s32 @!p0 s3, s7;
	s7 =	simm.s32 @!p0 $0x108  }
0x21: {  	s3 =	sadd.s32 s3, s9;
	s6 =	sadd.s32 @!p0 $0x88, s6;
	s7 =	simm.s32 @p2 $0x1082  }
0x22: {  	[simem:s7], [sflag:s8] =	dma.local @!p0 [hbm:s6], $0xF7A  }
0x23: {  	s9 =	sor.u32 $0xD0000000, s2;
	s6 =	simm.s32 $0x108;
	_ =	swait.ge @!p0 [sflag:s8], $0x0  }
0x24: {  	s3 =	sadd.s32 $0x88, s3;
	s6 =	simm.s32 @!p1 $0x1082;
	[sflag:s4] =	ssyncset.s32 $0xFFFFF086  }
0x25: {  	[simem:s6], [sflag:s4] =	dma.local [hbm:s3], $0xF7A  }
0x26: {  	[smem:$0x3F9D] =	sst s1;
	(tag) =	ssettag s2;
	_ =	strace s9  }
0x27: {  	s1 =	sld [smem:$0x3FAD]  }
0x28: {  	s2 =	sld [smem:$0x3FAE]  }
0x29: {  	s4 =	sld [smem:$0x3FB0]  }
0x2a: {  	p0 =	seq.s32 s5, $0x0;
	s5 =	sld [smem:$0x3FB1]  }
0x2b: {  	s6 =	sld [smem:$0x3FB2]  }
0x2c: {  	s7 =	sld [smem:$0x3FB3]  }
0x2d: {  	s3 =	simm.s32 $0x108;
	s8 =	sld [smem:$0x3FB4]  }
0x2e: {  	s3 =	simm.s32 @!p0 $0x1082;
	s9 =	sld [smem:$0x3FB5]  }
0x2f: {  	lr =	sadd.s32 s0, s3;
	s0 =	sld [smem:$0x3FAC]  }
0x30: {  	s3 =	sld [smem:$0x3FAF]  }
0x31: {  	[smem:$0x3FB8] =	sst s10  }
0x32: {  	s10 =	sld [smem:$0x3FB6];
	_ =	sdelay $0x3  }
0x33: {  	p0 =	seq.s32 s10, $0x1;
	s10 =	sld [smem:$0x3FB8];
	_ =	sdelay $0x3  }
0x34: {  	[smem:$0x3FB8] =	sst s10  }
0x35: {  	s10 =	sld [smem:$0x3FB7];
	_ =	sdelay $0x3  }
0x36: {  	p1 =	seq.s32 s10, $0x1;
	s10 =	sld [smem:$0x3FB8];
	_ =	sdelay $0x3  }
0x37: {  	[smem:$0x3FB8] =	sst s10  }
0x38: {  	s10 =	sld [smem:$0x3FB9]  }
0x39: {  	_ = 	snop;
	(pc) =	sbr.ind lr, $3  }
0x3a: {  	_ = 	snop  }
0x3b: {  	_ = 	snop  }
0x3c: {  	p2 =	seq.s32 s10, $0x1;
	s10 =	sld [smem:$0x3FB8]  }
0x3d: {  	_ =	shalt  }
0x3e: {  	_ =	shalt  }
0x3f: {  	_ =	shalt  }
0x40: {  	_ =	shalt  }
0x41: {  	_ =	shalt  }
0x42: {  	_ =	shalt  }
0x43: {  	_ =	shalt  }
0x44: {  	_ =	shalt  }
0x45: {  	_ =	shalt  }
0x46: {  	_ =	shalt  }
0x47: {  	_ =	shalt  }
0x48: {  	_ =	shalt  }
0x49: {  	_ =	shalt  }
0x4a: {  	_ =	shalt  }
0x4b: {  	_ =	shalt  }
0x4c: {  	_ =	shalt  }
0x4d: {  	_ =	shalt  }
0x4e: {  	_ =	shalt  }
0x4f: {  	_ =	shalt  }
0x50: {  	_ =	shalt  }
0x51: {  	_ =	shalt  }
0x52: {  	_ =	shalt  }
0x53: {  	_ =	shalt  }
0x54: {  	_ =	shalt  }
0x55: {  	_ =	shalt  }
0x56: {  	_ =	shalt  }
0x57: {  	_ =	shalt  }
0x58: {  	_ =	shalt  }
0x59: {  	_ =	shalt  }
0x5a: {  	_ =	shalt  }
0x5b: {  	_ =	shalt  }
0x5c: {  	_ =	shalt  }
0x5d: {  	_ =	shalt  }
0x5e: {  	_ =	shalt  }
0x5f: {  	_ =	shalt  }
0x60: {  	_ =	shalt  }
0x61: {  	_ =	shalt  }
0x62: {  	_ =	shalt  }
0x63: {  	_ =	shalt  }
0x64: {  	_ =	shalt  }
0x65: {  	_ =	shalt  }
0x66: {  	_ =	shalt  }
0x67: {  	_ =	shalt  }
0x68: {  	_ =	shalt  }
0x69: {  	_ =	shalt  }
0x6a: {  	_ =	shalt  }
0x6b: {  	_ =	shalt  }
0x6c: {  	_ =	shalt  }
0x6d: {  	_ =	shalt  }
0x6e: {  	_ =	shalt  }
0x6f: {  	_ =	shalt  }
0x70: {  	_ =	shalt  }
0x71: {  	_ =	shalt  }
0x72: {  	_ =	shalt  }
0x73: {  	_ =	shalt  }
0x74: {  	_ =	shalt  }
0x75: {  	_ =	shalt  }
0x76: {  	_ =	shalt  }
0x77: {  	_ =	shalt  }
0x78: {  	_ =	shalt  }
0x79: {  	_ =	shalt  }
0x7a: {  	_ =	shalt  }
0x7b: {  	_ =	shalt  }
0x7c: {  	_ =	shalt  }
0x7d: {  	_ =	shalt  }
0x7e: {  	_ =	shalt  }
0x7f: {  	_ =	shalt  }
0x80: {  	_ =	shalt  }
0x81: {  	_ =	shalt  }
0x82: {  	_ =	shalt  }
0x83: {  	_ =	shalt  }
0x84: {  	_ =	shalt  }
0x85: {  	_ =	shalt  }
0x86: {  	_ =	shalt  }
0x87: {  	_ =	shalt  }
.Lfunc_end0:
.L_simem_size_0:
called_computation_lowered:
.L_overlay_start_0:
0x88: {  	s2 =	sld [smem:$0x3FD9]  }
0x89: {  	s3 =	sld [smem:$0x3FFE];
	_ =	sdelay $0x1  }
0x8a: {  	s1 =	srdreg.scid  }
0x8b: {  	s0 =	sand.u32 $0x1, s1  }
0x8c: {  	s17 =	sshll.u32 s0, $0xA;
	s2 =	sadd.s32 s3, s2  }
0x8d: {  	s2 =	sadd.s32 s2, s17  }
0x8e: {  	[smem:$0x3FC4] =	sst s2  }
0x8f: {  	_ = 	snop  }
0x90: {  	s2 =	sld [smem:$0x3FD0];
	(tm) =	ssettm $0x1  }
0x91: {  	s18 =	sld [smem:$0x3FFB];
	_ =	sdelay $0x3  }
0x92: {  	_ =	strace s18  }
0x93: {  	s3 =	sld [smem:$0x3FFC];
	_ =	sdelay $0x3  }
0x94: {  	_ =	strace s3  }
0x95: {  	s3 =	sld [smem:$0x3FFD];
	_ =	sdelay $0x3  }
0x96: {  	_ =	strace s3  }
0x97: {  	_ =	strace $0x8FFFFFFF  }
0x98: {  	s19 =	sld [smem:$0x3FDB];
	_ =	sdelay $0x1  }
0x99: {  	s4 =	simm.s32 $_scs_section_size  }
0x9a: {  	s5 =	simm.s32 $_size__tile_overlayer_lowered;
	s6 =	simm.s32 $_tile_overlayer_lowered  }
0x9b: {  	s22 =	simm.s32 $0x1BFF;
	s21 =	sshll.u32 s6, $0x1;
	s3 =	sadd.s32 s4, s19  }
0x9c: {  	s7 =	simm.s32 $0x0;
	s20 =	sshll.u32 s5, $0x1;
	s5 =	sadd.s32 s21, s3  }
0x9d: {  	[timem:s7], [sflag:s22] =	dma.local [hbm:s5], s20  }
0x9e: {  	_ =	swait.ge [sflag:s22], s20  }
0x9f: {  	s4 =	ssub.s32 $0x0, s20;
	[sflag:s22] =	ssyncset.done $0x0  }
0xa0: {  	[sflag:s22] =	ssyncadd.s32 s4;
	_ =	sdelay $0x1  }
0xa1: {  	s23 =	simm.s32 $0x1B8B  }
0xa2: {  	_ =	swait.ge [sflag:s23], $0x1  }
0xa3: {  	[sflag:s23] =	ssyncset.done $0x0  }
0xa4: {  	s25 =	simm.s32 $0x1B8E;
	s24 =	sld [smem:$0x3FFE];
	[sflag:s23] =	ssyncadd.s32 $0xFFFFFFFF  }
0xa5: {  	s26 =	simm.s32 $execute0_lowered;
	[smem:$0x3FD2] =	sst s25  }
0xa6: {  	s5 =	sshll.u32 s26, $0x1;
	_ =	strace $0x80000046;
	[dreg:$0x1] =	wrdreg $0xFFFFFFFF  }
0xa7: {  	s28 =	simm.s32 $_size_execute0_lowered;
	s3 =	sadd.s32 s3, s5;
	[dreg:$0x0] =	wrdreg $0x0  }
0xa8: {  	s5 =	sshll.u32 s28, $0x1;
	[dreg:$0x2] =	wrdreg s3  }
0xa9: {  	[dreg:$0x3] =	wrdreg s5  }
0xaa: {  	[dreg:$0x4] =	wrdreg $0xC0  }
0xab: {  	_ =	task [dreg:s7], $0x5FFFF  }
0xac: {  	[dreg:$0x1] =	wrdreg $0xFFFFFFFF  }
0xad: {  	[dreg:$0x0] =	wrdreg $0x60  }
0xae: {  	[dreg:$0x2] =	wrdreg s24  }
0xaf: {  	[dreg:$0x3] =	wrdreg s2  }
0xb0: {  	[dreg:$0x4] =	wrdreg $0x0  }
0xb1: {  	[dreg:$0x5] =	wrdreg $0x9  }
0xb2: {  	_ =	task.clear_ibuf [dreg:s7], $0x6FFFF;
	_ =	strace $0x90000046  }
0xb3: {  	s29 =	simm.s32 $0x9;
	_ =	strace $0x80000048  }
0xb4: {  	_ =	swait.ge [sflag:s29], $0x1  }
0xb5: {  	[sflag:s29] =	ssyncadd.s32 $0xFFFFFFFF  }
0xb6: {  	_ =	strace $0x90000048  }
0xb7: {  	_ =	sfence  }
0xb8: {  	s30 =	sld [smem:$0x0];
	_ =	sdelay $0x2  }
0xb9: {  	s31 =	sshll.u32 s1, $0xD;
	s1 =	sshrl.u32 s1, $0x2  }
0xba: {  	s3 =	sand.u32 $0x4000, s31;
	s1 =	sadd.s32 s1, s30  }
0xbb: {  	s0 =	sor.u32 s3, s0;
	s1 =	sshll.u32 s1, $0x11  }
0xbc: {  	s0 =	sor.u32 s1, s0  }
0xbd: {  	s0 =	sadd.s32 $0x8F2B, s0  }
0xbe: {  	[sflag:s0] =	ssyncadd.remote.s32 $0x1  }
0xbf: {  	_ =	sfence.sel $0xFFFF  }
0xc0: {  	[dreg:$0x0] =	wrdreg $0xFFFFFFFF;
	(pc) =	sbr.abs _section_cstart, $3  }
0xc1: {  	[dreg:$0x1] =	wrdreg $0xFFFFFFFF  }
0xc2: {  	_ =	task.clear_ibuf [dreg:s7], $0x2FFFF;
	_ =	strace $0x9FFFFFFF  }
0xc3: {  	(tm) =	ssettm $0x7FFFFFFF  }
tec
execute0_lowered:
.L_overlay_start_1:
0x0: {  	(tag) =	ssettag $0x1  }
0x1: {  	s0 =	srdreg.scid;
	s4 =	stileid.u32  }
0x2: {  	s3 =	rddreg [dreg:$0x0];
	s6 =	sand.u32 $0x1, s0;
	s5 =	sshll.u32 s4, $0x1  }
0x3: {  	s31 =	rddreg [dreg:$0x1];
	s5 =	sor.u32 s6, s5  }
0x4: {  	s1 =	rddreg [dreg:$0x2];
	s2 =	simm.s32 $0x0;
	s5 =	smul.u32 $0x19000, s5  }
0x5: {  	[smem:$0x7FF] =	sst s2;
	s28 =	sadd.s32 $0x600, s3;
	s3 =	sadd.s32 $0x64600, s3  }
0x6: {  	_ =	strace $0x80000047;
	[dreg:$0x4] =	wrdreg s3;
	s29 =	sshrl.u32 s5, $0x3  }
0x7: {  	s8 =	rddreg [dreg:$0x4];
	s26 =	sadd.s32 s28, s29  }
0x8: {  	s17 =	sadd.s32 $0x640, s29;
	s5 =	sadd.s32 s31, s29;
	[dreg:$0x5] =	wrdreg s26  }
0x9: {  	p0 =	sne.s32 s4, $0x0;
	s0 =	sadd.s32 s28, s17;
	[dreg:$0x7] =	wrdreg s5  }
0xa: {  	s3 =	simm.s32 $0xF428;
	s4 =	simm.s32 @!p0 $0x7;
	[dreg:$0x6] =	wrdreg s0  }
0xb: {  	s5 =	sshrl.u32 @!p0 s1, $0x3;
	s7 =	rddreg [dreg:$0x5];
	s0 =	simm.s32 @!p0 $0x1C07  }
0xc: {  	[tilespmem:s3], [sflag:$0x1] =	stream.linear.gather [hbm4b:s7+s2], $0x3200, $0x38;
	[tilespmem:$0x1BC28] =	vst v63  }
0xd: {  	[spmem:s5], [sflag:s0] =	dma.local @!p0 [hbm:s8], $0x1E850  }
0xe: {  	_ =	swait.ge @!p0 [sflag:s4], $0x1E850  }
0xf: {  	[sflag:s4] =	ssyncset.done @!p0 $0x0  }
0x10: {  	[sflag:s4] =	ssyncadd.s32 @!p0 $0xFFFE17B0  }
0x11: {  	s7 =	simm.s32 $0x1;
	[bflag:$0x0] =	sbarrier.arrive $0xFFFF  }
0x12: {  	_ =	swait.ge [sflag:s7], $0x3200  }
0x13: {  	[sflag:s7] =	ssyncset.done $0x0  }
0x14: {  	s9 =	simm.s32 $0x15828;
	s8 =	simm.s32 $0x3200;
	[sflag:s7] =	ssyncadd.s32 $0xFFFFCE00  }
0x15: {  	[tilespmem:s9], [sflag:$0x3] =	stream.indirect.gather [spmem:s1], $0x1, s3, s8, $0xb8;
	[tilespmem:$0x1BC28] =	vst v63  }
0x16: {  	s10 =	simm.s32 $0x12628;
	s11 =	simm.s32 $0x2;
	s12 =	rddreg [dreg:$0x6]  }
0x17: {  	[tilespmem:s10], [sflag:$0x2] =	stream.linear.gather [hbm4b:s12+s2], $0x3200, $0x38;
	[tilespmem:$0x1BC28] =	vst v63  }
0x18: {  	_ =	swait.ge [sflag:s11], $0x3200  }
0x19: {  	[sflag:s11] =	ssyncset.done $0x0  }
0x1a: {  	s13 =	simm.s32 $0x3;
	s12 =	simm.s32 $0x18A28;
	[sflag:s11] =	ssyncadd.s32 $0xFFFFCE00  }
0x1b: {  	[tilespmem:s12], [sflag:$0x4] =	stream.indirect.gather [spmem:s1], $0x1, s10, s8, $0xb8;
	[tilespmem:$0x1BC28] =	vst v63  }
0x1c: {  	_ =	swait.ge [sflag:s13], $0x3200  }
0x1d: {  	[sflag:s13] =	ssyncset.done $0x0  }
0x1e: {  	s20 =	sadd.s32 $0xC80, s29;
	s14 =	rddreg [dreg:$0x7];
	[sflag:s13] =	ssyncadd.s32 $0xFFFFCE00  }
0x1f: {  	[hbm4b:s14+s2] =	stream.linear.scatter [tilespmem:s9], [sflag:$0x5], $0x3200, $0x38;
	[tilespmem:$0x1BC28] =	vst v63  }
0x20: {  	s14 =	sadd.s32 s28, s20  }
0x21: {  	[tilespmem:s3], [sflag:$0x1] =	stream.linear.gather [hbm4b:s14+s2], $0x3200, $0x38;
	[tilespmem:$0x1BC28] =	vst v63  }
0x22: {  	_ =	swait.ge [sflag:s7], $0x3200  }
0x23: {  	[sflag:s7] =	ssyncset.done $0x0  }
0x24: {  	s15 =	simm.s32 $0x5;
	[sflag:s7] =	ssyncadd.s32 $0xFFFFCE00  }
0x25: {  	_ =	swait.ge [sflag:s15], $0x3200  }
0x26: {  	[sflag:s15] =	ssyncset.done $0x0  }
0x27: {  	s16 =	simm.s32 $0x4;
	[sflag:s15] =	ssyncadd.s32 $0xFFFFCE00  }
0x28: {  	[tilespmem:s9], [sflag:$0x3] =	stream.indirect.gather [spmem:s1], $0x1, s3, s8, $0xb8;
	[tilespmem:$0x1BC28] =	vst v63  }
0x29: {  	_ =	swait.ge [sflag:s16], $0x3200  }
0x2a: {  	[sflag:s16] =	ssyncset.done $0x0  }
0x2b: {  	s22 =	sadd.s32 $0x12C0, s29;
	s17 =	sadd.s32 s31, s17;
	[sflag:s16] =	ssyncadd.s32 $0xFFFFCE00  }
0x2c: {  	[hbm4b:s17+s2] =	stream.linear.scatter [tilespmem:s12], [sflag:$0x6], $0x3200, $0x38;
	[tilespmem:$0x1BC28] =	vst v63  }
0x2d: {  	s18 =	sadd.s32 s28, s22  }
0x2e: {  	[tilespmem:s10], [sflag:$0x2] =	stream.linear.gather [hbm4b:s18+s2], $0x3200, $0x38;
	[tilespmem:$0x1BC28] =	vst v63  }
0x2f: {  	_ =	swait.ge [sflag:s11], $0x3200  }
0x30: {  	[sflag:s11] =	ssyncset.done $0x0  }
0x31: {  	s19 =	simm.s32 $0x6;
	[sflag:s11] =	ssyncadd.s32 $0xFFFFCE00  }
0x32: {  	_ =	swait.ge [sflag:s19], $0x3200  }
0x33: {  	[sflag:s19] =	ssyncset.done $0x0  }
0x34: {  	[sflag:s19] =	ssyncadd.s32 $0xFFFFCE00  }
0x35: {  	[tilespmem:s12], [sflag:$0x4] =	stream.indirect.gather [spmem:s1], $0x1, s10, s8, $0xb8;
	[tilespmem:$0x1BC28] =	vst v63  }
0x36: {  	_ =	swait.ge [sflag:s13], $0x3200  }
0x37: {  	[sflag:s13] =	ssyncset.done $0x0  }
0x38: {  	s24 =	sadd.s32 $0x1900, s29;
	s20 =	sadd.s32 s31, s20;
	[sflag:s13] =	ssyncadd.s32 $0xFFFFCE00  }
0x39: {  	[hbm4b:s20+s2] =	stream.linear.scatter [tilespmem:s9], [sflag:$0x5], $0x3200, $0x38;
	[tilespmem:$0x1BC28] =	vst v63  }
0x3a: {  	s21 =	sadd.s32 s28, s24  }
0x3b: {  	[tilespmem:s3], [sflag:$0x1] =	stream.linear.gather [hbm4b:s21+s2], $0x3200, $0x38;
	[tilespmem:$0x1BC28] =	vst v63  }
0x3c: {  	_ =	swait.ge [sflag:s7], $0x3200  }
0x3d: {  	[sflag:s7] =	ssyncset.done $0x0  }
0x3e: {  	[sflag:s7] =	ssyncadd.s32 $0xFFFFCE00  }
0x3f: {  	_ =	swait.ge [sflag:s15], $0x3200  }
0x40: {  	[sflag:s15] =	ssyncset.done $0x0  }
0x41: {  	[sflag:s15] =	ssyncadd.s32 $0xFFFFCE00  }
0x42: {  	[tilespmem:s9], [sflag:$0x3] =	stream.indirect.gather [spmem:s1], $0x1, s3, s8, $0xb8;
	[tilespmem:$0x1BC28] =	vst v63  }
0x43: {  	_ =	swait.ge [sflag:s16], $0x3200  }
0x44: {  	[sflag:s16] =	ssyncset.done $0x0  }
0x45: {  	s22 =	sadd.s32 s31, s22;
	s26 =	sadd.s32 $0x1F40, s29;
	[sflag:s16] =	ssyncadd.s32 $0xFFFFCE00  }
0x46: {  	[hbm4b:s22+s2] =	stream.linear.scatter [tilespmem:s12], [sflag:$0x6], $0x3200, $0x38;
	[tilespmem:$0x1BC28] =	vst v63  }
0x47: {  	s23 =	sadd.s32 s28, s26  }
0x48: {  	[tilespmem:s10], [sflag:$0x2] =	stream.linear.gather [hbm4b:s23+s2], $0x3200, $0x38;
	[tilespmem:$0x1BC28] =	vst v63  }
0x49: {  	_ =	swait.ge [sflag:s11], $0x3200  }
0x4a: {  	[sflag:s11] =	ssyncset.done $0x0  }
0x4b: {  	[sflag:s11] =	ssyncadd.s32 $0xFFFFCE00  }
0x4c: {  	_ =	swait.ge [sflag:s19], $0x3200  }
0x4d: {  	[sflag:s19] =	ssyncset.done $0x0  }
0x4e: {  	[sflag:s19] =	ssyncadd.s32 $0xFFFFCE00  }
0x4f: {  	[tilespmem:s12], [sflag:$0x4] =	stream.indirect.gather [spmem:s1], $0x1, s10, s8, $0xb8;
	[tilespmem:$0x1BC28] =	vst v63  }
0x50: {  	_ =	swait.ge [sflag:s13], $0x3200  }
0x51: {  	[sflag:s13] =	ssyncset.done $0x0  }
0x52: {  	s30 =	sadd.s32 $0x2580, s29;
	s24 =	sadd.s32 s31, s24;
	[sflag:s13] =	ssyncadd.s32 $0xFFFFCE00  }
0x53: {  	[hbm4b:s24+s2] =	stream.linear.scatter [tilespmem:s9], [sflag:$0x5], $0x3200, $0x38;
	[tilespmem:$0x1BC28] =	vst v63  }
0x54: {  	s25 =	sadd.s32 s28, s30  }
0x55: {  	[tilespmem:s3], [sflag:$0x1] =	stream.linear.gather [hbm4b:s25+s2], $0x3200, $0x38;
	[tilespmem:$0x1BC28] =	vst v63  }
0x56: {  	_ =	swait.ge [sflag:s7], $0x3200  }
0x57: {  	[sflag:s7] =	ssyncset.done $0x0  }
0x58: {  	[sflag:s7] =	ssyncadd.s32 $0xFFFFCE00  }
0x59: {  	_ =	swait.ge [sflag:s15], $0x3200  }
0x5a: {  	[sflag:s15] =	ssyncset.done $0x0  }
0x5b: {  	[sflag:s15] =	ssyncadd.s32 $0xFFFFCE00  }
0x5c: {  	[tilespmem:s9], [sflag:$0x3] =	stream.indirect.gather [spmem:s1], $0x1, s3, s8, $0xb8;
	[tilespmem:$0x1BC28] =	vst v63  }
0x5d: {  	_ =	swait.ge [sflag:s16], $0x3200  }
0x5e: {  	[sflag:s16] =	ssyncset.done $0x0  }
0x5f: {  	s26 =	sadd.s32 s31, s26;
	s0 =	sadd.s32 $0x2BC0, s29;
	[sflag:s16] =	ssyncadd.s32 $0xFFFFCE00  }
0x60: {  	[hbm4b:s26+s2] =	stream.linear.scatter [tilespmem:s12], [sflag:$0x6], $0x3200, $0x38;
	[tilespmem:$0x1BC28] =	vst v63  }
0x61: {  	s28 =	sadd.s32 s28, s0  }
0x62: {  	[tilespmem:s10], [sflag:$0x2] =	stream.linear.gather [hbm4b:s28+s2], $0x3200, $0x38;
	[tilespmem:$0x1BC28] =	vst v63  }
0x63: {  	_ =	swait.ge [sflag:s11], $0x3200  }
0x64: {  	[sflag:s11] =	ssyncset.done $0x0  }
0x65: {  	[sflag:s11] =	ssyncadd.s32 $0xFFFFCE00  }
0x66: {  	_ =	swait.ge [sflag:s19], $0x3200  }
0x67: {  	[sflag:s19] =	ssyncset.done $0x0  }
0x68: {  	[sflag:s19] =	ssyncadd.s32 $0xFFFFCE00  }
0x69: {  	[tilespmem:s12], [sflag:$0x4] =	stream.indirect.gather [spmem:s1], $0x1, s10, s8, $0xb8;
	[tilespmem:$0x1BC28] =	vst v63  }
0x6a: {  	s6 =	ssub.s32 $0x2, s6;
	s29 =	sadd.s32 s31, s30;
	_ =	swait.ge [sflag:s13], $0x3200  }
0x6b: {  	s30 =	sadd.s32 s31, s0;
	s31 =	sshrl.u32 s6, $0x1;
	[sflag:s13] =	ssyncset.done $0x0  }
0x6c: {  	s0 =	ssub.s32 s6, s31;
	[sflag:s13] =	ssyncadd.s32 $0xFFFFCE00  }
0x6d: {  	[hbm4b:s29+s2] =	stream.linear.scatter [tilespmem:s9], [sflag:$0x5], $0x3200, $0x38;
	[tilespmem:$0x1BC28] =	vst v63  }
0x6e: {  	s0 =	smax.u32 s0, $0x1;
	_ =	swait.ge [sflag:s16], $0x3200  }
0x6f: {  	s31 =	sadd.s32 $0xFFFFFFFF, s0;
	[sflag:s16] =	ssyncset.done $0x0  }
0x70: {  	p1 =	sne.s32 s31, $0x0;
	[sflag:s16] =	ssyncadd.s32 $0xFFFFCE00  }
0x71: {  	[hbm4b:s30+s2] =	stream.linear.scatter [tilespmem:s12], [sflag:$0x6], $0x3200, $0x38;
	[tilespmem:$0x1BC28] =	vst v63  }
.Ltmp0:
0x72: {  	_ =	swait.ge [sflag:s15], $0x3200;
	(pc) =	sbr.rel @!p1 .LBB2_2-.Ltmp0, $4  }
0x73: {  	[sflag:s15] =	ssyncset.done $0x0  }
0x74: {  	[sflag:s15] =	ssyncadd.s32 $0xFFFFCE00  }
0x75: {  	_ =	swait.ge [sflag:s19], $0x3200  }
0x76: {  	[sflag:s19] =	ssyncset.done $0x0  }
.LBB2_1:
0x77: {  	s0 =	rddreg [dreg:$0x5];
	[sflag:s19] =	ssyncadd.s32 $0xFFFFCE00  }
0x78: {  	[tilespmem:s3], [sflag:$0x1] =	stream.linear.gather [hbm4b:s0+s2], $0x3200, $0x38;
	[tilespmem:$0x1BC28] =	vst v63  }
0x79: {  	s6 =	rddreg [dreg:$0x4];
	s0 =	simm.s32 @!p0 $0x1C07  }
0x7a: {  	[spmem:s5], [sflag:s0] =	dma.local @!p0 [hbm:s6], $0x1E850  }
0x7b: {  	_ =	swait.ge @!p0 [sflag:s4], $0x1E850  }
0x7c: {  	[sflag:s4] =	ssyncset.done @!p0 $0x0  }
0x7d: {  	[sflag:s4] =	ssyncadd.s32 @!p0 $0xFFFE17B0  }
0x7e: {  	[bflag:$0x0] =	sbarrier.arrive $0xFFFF  }
0x7f: {  	_ =	swait.ge [sflag:s7], $0x3200  }
0x80: {  	[sflag:s7] =	ssyncset.done $0x0  }
0x81: {  	[sflag:s7] =	ssyncadd.s32 $0xFFFFCE00  }
0x82: {  	[tilespmem:s9], [sflag:$0x3] =	stream.indirect.gather [spmem:s1], $0x1, s3, s8, $0xb8;
	[tilespmem:$0x1BC28] =	vst v63  }
0x83: {  	s6 =	rddreg [dreg:$0x6]  }
0x84: {  	[tilespmem:s10], [sflag:$0x2] =	stream.linear.gather [hbm4b:s6+s2], $0x3200, $0x38;
	[tilespmem:$0x1BC28] =	vst v63  }
0x85: {  	_ =	swait.ge [sflag:s11], $0x3200  }
0x86: {  	[sflag:s11] =	ssyncset.done $0x0  }
0x87: {  	[sflag:s11] =	ssyncadd.s32 $0xFFFFCE00  }
0x88: {  	[tilespmem:s12], [sflag:$0x4] =	stream.indirect.gather [spmem:s1], $0x1, s10, s8, $0xb8;
	[tilespmem:$0x1BC28] =	vst v63  }
0x89: {  	_ =	swait.ge [sflag:s13], $0x3200  }
0x8a: {  	[sflag:s13] =	ssyncset.done $0x0  }
0x8b: {  	s6 =	rddreg [dreg:$0x7];
	[sflag:s13] =	ssyncadd.s32 $0xFFFFCE00  }
0x8c: {  	[hbm4b:s6+s2] =	stream.linear.scatter [tilespmem:s9], [sflag:$0x5], $0x3200, $0x38;
	[tilespmem:$0x1BC28] =	vst v63  }
0x8d: {  	_ = 	snop  }
0x8e: {  	[tilespmem:s3], [sflag:$0x1] =	stream.linear.gather [hbm4b:s14+s2], $0x3200, $0x38;
	[tilespmem:$0x1BC28] =	vst v63  }
0x8f: {  	_ =	swait.ge [sflag:s7], $0x3200  }
0x90: {  	[sflag:s7] =	ssyncset.done $0x0  }
0x91: {  	[sflag:s7] =	ssyncadd.s32 $0xFFFFCE00  }
0x92: {  	_ =	swait.ge [sflag:s15], $0x3200  }
0x93: {  	[sflag:s15] =	ssyncset.done $0x0  }
0x94: {  	[sflag:s15] =	ssyncadd.s32 $0xFFFFCE00  }
0x95: {  	[tilespmem:s9], [sflag:$0x3] =	stream.indirect.gather [spmem:s1], $0x1, s3, s8, $0xb8;
	[tilespmem:$0x1BC28] =	vst v63  }
0x96: {  	_ =	swait.ge [sflag:s16], $0x3200  }
0x97: {  	[sflag:s16] =	ssyncset.done $0x0  }
0x98: {  	[sflag:s16] =	ssyncadd.s32 $0xFFFFCE00  }
0x99: {  	[hbm4b:s17+s2] =	stream.linear.scatter [tilespmem:s12], [sflag:$0x6], $0x3200, $0x38;
	[tilespmem:$0x1BC28] =	vst v63  }
0x9a: {  	_ = 	snop  }
0x9b: {  	[tilespmem:s10], [sflag:$0x2] =	stream.linear.gather [hbm4b:s18+s2], $0x3200, $0x38;
	[tilespmem:$0x1BC28] =	vst v63  }
0x9c: {  	_ =	swait.ge [sflag:s11], $0x3200  }
0x9d: {  	[sflag:s11] =	ssyncset.done $0x0  }
0x9e: {  	[sflag:s11] =	ssyncadd.s32 $0xFFFFCE00  }
0x9f: {  	_ =	swait.ge [sflag:s19], $0x3200  }
0xa0: {  	[sflag:s19] =	ssyncset.done $0x0  }
0xa1: {  	[sflag:s19] =	ssyncadd.s32 $0xFFFFCE00  }
0xa2: {  	[tilespmem:s12], [sflag:$0x4] =	stream.indirect.gather [spmem:s1], $0x1, s10, s8, $0xb8;
	[tilespmem:$0x1BC28] =	vst v63  }
0xa3: {  	_ =	swait.ge [sflag:s13], $0x3200  }
0xa4: {  	[sflag:s13] =	ssyncset.done $0x0  }
0xa5: {  	[sflag:s13] =	ssyncadd.s32 $0xFFFFCE00  }
0xa6: {  	[hbm4b:s20+s2] =	stream.linear.scatter [tilespmem:s9], [sflag:$0x5], $0x3200, $0x38;
	[tilespmem:$0x1BC28] =	vst v63  }
0xa7: {  	_ = 	snop  }
0xa8: {  	[tilespmem:s3], [sflag:$0x1] =	stream.linear.gather [hbm4b:s21+s2], $0x3200, $0x38;
	[tilespmem:$0x1BC28] =	vst v63  }
0xa9: {  	_ =	swait.ge [sflag:s7], $0x3200  }
0xaa: {  	[sflag:s7] =	ssyncset.done $0x0  }
0xab: {  	[sflag:s7] =	ssyncadd.s32 $0xFFFFCE00  }
0xac: {  	_ =	swait.ge [sflag:s15], $0x3200  }
0xad: {  	[sflag:s15] =	ssyncset.done $0x0  }
0xae: {  	[sflag:s15] =	ssyncadd.s32 $0xFFFFCE00  }
0xaf: {  	[tilespmem:s9], [sflag:$0x3] =	stream.indirect.gather [spmem:s1], $0x1, s3, s8, $0xb8;
	[tilespmem:$0x1BC28] =	vst v63  }
0xb0: {  	_ =	swait.ge [sflag:s16], $0x3200  }
0xb1: {  	[sflag:s16] =	ssyncset.done $0x0  }
0xb2: {  	[sflag:s16] =	ssyncadd.s32 $0xFFFFCE00  }
0xb3: {  	[hbm4b:s22+s2] =	stream.linear.scatter [tilespmem:s12], [sflag:$0x6], $0x3200, $0x38;
	[tilespmem:$0x1BC28] =	vst v63  }
0xb4: {  	_ = 	snop  }
0xb5: {  	[tilespmem:s10], [sflag:$0x2] =	stream.linear.gather [hbm4b:s23+s2], $0x3200, $0x38;
	[tilespmem:$0x1BC28] =	vst v63  }
0xb6: {  	_ =	swait.ge [sflag:s11], $0x3200  }
0xb7: {  	[sflag:s11] =	ssyncset.done $0x0  }
0xb8: {  	[sflag:s11] =	ssyncadd.s32 $0xFFFFCE00  }
0xb9: {  	_ =	swait.ge [sflag:s19], $0x3200  }
0xba: {  	[sflag:s19] =	ssyncset.done $0x0  }
0xbb: {  	[sflag:s19] =	ssyncadd.s32 $0xFFFFCE00  }
0xbc: {  	[tilespmem:s12], [sflag:$0x4] =	stream.indirect.gather [spmem:s1], $0x1, s10, s8, $0xb8;
	[tilespmem:$0x1BC28] =	vst v63  }
0xbd: {  	_ =	swait.ge [sflag:s13], $0x3200  }
0xbe: {  	[sflag:s13] =	ssyncset.done $0x0  }
0xbf: {  	[sflag:s13] =	ssyncadd.s32 $0xFFFFCE00  }
0xc0: {  	[hbm4b:s24+s2] =	stream.linear.scatter [tilespmem:s9], [sflag:$0x5], $0x3200, $0x38;
	[tilespmem:$0x1BC28] =	vst v63  }
0xc1: {  	_ = 	snop  }
0xc2: {  	[tilespmem:s3], [sflag:$0x1] =	stream.linear.gather [hbm4b:s25+s2], $0x3200, $0x38;
	[tilespmem:$0x1BC28] =	vst v63  }
0xc3: {  	_ =	swait.ge [sflag:s7], $0x3200  }
0xc4: {  	[sflag:s7] =	ssyncset.done $0x0  }
0xc5: {  	[sflag:s7] =	ssyncadd.s32 $0xFFFFCE00  }
0xc6: {  	_ =	swait.ge [sflag:s15], $0x3200  }
0xc7: {  	[sflag:s15] =	ssyncset.done $0x0  }
0xc8: {  	[sflag:s15] =	ssyncadd.s32 $0xFFFFCE00  }
0xc9: {  	[tilespmem:s9], [sflag:$0x3] =	stream.indirect.gather [spmem:s1], $0x1, s3, s8, $0xb8;
	[tilespmem:$0x1BC28] =	vst v63  }
0xca: {  	_ =	swait.ge [sflag:s16], $0x3200  }
0xcb: {  	[sflag:s16] =	ssyncset.done $0x0  }
0xcc: {  	[sflag:s16] =	ssyncadd.s32 $0xFFFFCE00  }
0xcd: {  	[hbm4b:s26+s2] =	stream.linear.scatter [tilespmem:s12], [sflag:$0x6], $0x3200, $0x38;
	[tilespmem:$0x1BC28] =	vst v63  }
0xce: {  	_ = 	snop  }
0xcf: {  	[tilespmem:s10], [sflag:$0x2] =	stream.linear.gather [hbm4b:s28+s2], $0x3200, $0x38;
	[tilespmem:$0x1BC28] =	vst v63  }
0xd0: {  	_ =	swait.ge [sflag:s11], $0x3200  }
0xd1: {  	[sflag:s11] =	ssyncset.done $0x0  }
0xd2: {  	[sflag:s11] =	ssyncadd.s32 $0xFFFFCE00  }
0xd3: {  	_ =	swait.ge [sflag:s19], $0x3200  }
0xd4: {  	[sflag:s19] =	ssyncset.done $0x0  }
0xd5: {  	[sflag:s19] =	ssyncadd.s32 $0xFFFFCE00  }
0xd6: {  	[tilespmem:s12], [sflag:$0x4] =	stream.indirect.gather [spmem:s1], $0x1, s10, s8, $0xb8;
	[tilespmem:$0x1BC28] =	vst v63  }
0xd7: {  	_ =	swait.ge [sflag:s13], $0x3200  }
0xd8: {  	[sflag:s13] =	ssyncset.done $0x0  }
0xd9: {  	[sflag:s13] =	ssyncadd.s32 $0xFFFFCE00  }
0xda: {  	[hbm4b:s29+s2] =	stream.linear.scatter [tilespmem:s9], [sflag:$0x5], $0x3200, $0x38;
	[tilespmem:$0x1BC28] =	vst v63  }
0xdb: {  	_ =	swait.ge [sflag:s16], $0x3200  }
0xdc: {  	s31 =	sadd.s32 $0xFFFFFFFF, s31;
	[sflag:s16] =	ssyncset.done $0x0  }
0xdd: {  	p1 =	sne.s32 s31, $0x0;
	[sflag:s16] =	ssyncadd.s32 $0xFFFFCE00  }
0xde: {  	[hbm4b:s30+s2] =	stream.linear.scatter [tilespmem:s12], [sflag:$0x6], $0x3200, $0x38;
	[tilespmem:$0x1BC28] =	vst v63  }
.Ltmp1:
0xdf: {  	_ =	swait.ge [sflag:s15], $0x3200;
	(pc) =	sbr.rel @p1 .LBB2_1-.Ltmp1, $4  }
0xe0: {  	[sflag:s15] =	ssyncset.done $0x0  }
0xe1: {  	[sflag:s15] =	ssyncadd.s32 $0xFFFFCE00  }
0xe2: {  	_ =	swait.ge [sflag:s19], $0x3200  }
0xe3: {  	[sflag:s19] =	ssyncset.done $0x0  }
.LBB2_2:
0xe4: {  	[sflag:s19] =	ssyncadd.s32 $0xFFFFCE00  }
0xe5: {  	_ =	sfence.sel $0x180000  }
0xe6: {  	[bflag:$0x0] =	sbarrier.arrive $0xFFFF  }
0xe7: {  	_ =	strace $0x90000047  }
0xe8: {  	[bflag:$0x2] =	sbarrier.arrive $0xFFFF  }
0xe9: {  	s0 =	rddreg [dreg:$0x3]  }
0xea: {  	s0 =	sadd.s32 @!p0 $0x100000, s0  }
0xeb: {  	[sflag:s0] =	ssyncadd.tile.s32 @!p0 $0x1;
	_ =	shalt  }
.Lfunc_end2:
_tile_overlayer_lowered:
.L_overlay_start_2:
0xec: {  	(tag) =	ssettag $0x2  }
0xed: {  	s0 =	rddreg [dreg:$0x0];
	s2 =	stileid.u32  }
0xee: {  	s1 =	rddreg [dreg:$0x1];
	p0 =	sne.s32 s2, $0x0  }
0xef: {  	s3 =	rddreg [dreg:$0x2];
	[bflag:$0x3] =	sbarrier.arrive $0xFFFF;
	s2 =	simm.s32 @!p0 $0x1C07  }
0xf0: {  	[timem:s3], [sflag:s2] =	dma.local @!p0 [hbm:s0], s1  }
0xf1: {  	s0 =	simm.s32 @!p0 $0x7  }
0xf2: {  	_ =	swait.ge @!p0 [sflag:s0], s1  }
0xf3: {  	s1 =	ssub.s32 @!p0 $0x0, s1;
	[sflag:s0] =	ssyncset.done @!p0 $0x0  }
0xf4: {  	[sflag:s0] =	ssyncadd.s32 @!p0 s1  }
0xf5: {  	[bflag:$0x3] =	sbarrier.arrive $0xFFFF  }
0xf6: {  	_ =	shalt  }

</sc_bundles>
